<compile_context>
chip_gen: v7x
topology: tpu7x:2x2x1
jax: 0.10.2.dev20260603
libtpu: 0.0.44.dev20260713+nightly
codegen_flags: <defaults>
</compile_context>

<pallas_src>
import functools

import jax
import jax.numpy as jnp
from jax import lax
from jax.experimental import pallas as pl
from jax.experimental.pallas import tpu as pltpu
from jax.experimental.pallas import tpu_sc as plsc

B = 65536
K = 64
BC = 2048
NB = B // BC

_info = plsc.get_sparse_core_info()
_NC, _NS = _info.num_cores, _info.num_subcores
NW = _NC * _NS
BPW = B // NW


def _sc_gather(query_preds, seg_starts, seg_lens):
    mesh = plsc.VectorSubcoreMesh(core_axis_name="c", subcore_axis_name="s")

    @functools.partial(
        pl.kernel,
        mesh=mesh,
        out_type=[
            jax.ShapeDtypeStruct((B,), jnp.int32),
            jax.ShapeDtypeStruct((B,), jnp.int32),
        ],
        scratch_types=[
            pltpu.VMEM((BPW,), jnp.int32),
            pltpu.VMEM((BPW,), jnp.int32),
            pltpu.VMEM((BPW,), jnp.int32),
            pltpu.SemaphoreType.DMA,
            pltpu.SemaphoreType.DMA,
        ],
    )
    def body(qp_hbm, starts_hbm, lens_hbm, out_s_hbm, out_l_hbm,
             qp_v, s_v, l_v, sem_s, sem_l):
        wid = lax.axis_index("s") * _NC + lax.axis_index("c")
        base = wid * BPW
        pltpu.sync_copy(qp_hbm.at[pl.ds(base, BPW)], qp_v)
        cp_s = pltpu.async_copy(starts_hbm.at[qp_v], s_v, sem_s)
        cp_l = pltpu.async_copy(lens_hbm.at[qp_v], l_v, sem_l)
        cp_s.wait()
        wr_s = pltpu.async_copy(s_v, out_s_hbm.at[pl.ds(base, BPW)], sem_s)
        cp_l.wait()
        wr_l = pltpu.async_copy(l_v, out_l_hbm.at[pl.ds(base, BPW)], sem_l)
        wr_s.wait()
        wr_l.wait()

    return body(query_preds, seg_starts, seg_lens)


def _tc_expand_body(s_ref, l_ref, offs_ref, item_ref, mask_ref, qidx_ref):
    i = pl.program_id(0)
    s_row = s_ref[0]
    l_row = l_ref[0]
    o_col = offs_ref[:, 0:1]
    item_ref[...] = s_row + o_col
    mask_ref[...] = (o_col < l_row).astype(jnp.int8)
    qidx_ref[...] = lax.broadcasted_iota(jnp.int32, (K, BC), 1) + i * BC


def _tc_expand(starts_r, lens_r, offs_c):
    return pl.pallas_call(
        _tc_expand_body,
        grid=(NB,),
        in_specs=[
            pl.BlockSpec((1, 1, BC), lambda i: (i, 0, 0)),
            pl.BlockSpec((1, 1, BC), lambda i: (i, 0, 0)),
            pl.BlockSpec((K, 128), lambda i: (0, 0)),
        ],
        out_specs=[
            pl.BlockSpec((K, BC), lambda i: (0, i)),
            pl.BlockSpec((K, BC), lambda i: (0, i)),
            pl.BlockSpec((K, BC), lambda i: (0, i)),
        ],
        out_shape=[
            jax.ShapeDtypeStruct((K, B), jnp.int32),
            jax.ShapeDtypeStruct((K, B), jnp.int8),
            jax.ShapeDtypeStruct((K, B), jnp.int32),
        ],
    )(starts_r, lens_r, offs_c)


def kernel(query_preds, max_pairs, seg_starts, seg_lens):
    starts_g, lens_g = _sc_gather(query_preds, seg_starts, seg_lens)
    pad = (jnp.asarray(max_pairs, jnp.int32) - K)
    offs = jnp.arange(K, dtype=jnp.int32) + pad
    offs_c = jnp.broadcast_to(offs[:, None], (K, 128))
    item_t, mask_t, qidx_t = _tc_expand(
        starts_g.reshape(NB, 1, BC), lens_g.reshape(NB, 1, BC), offs_c)
    mask = mask_t.T.view(jnp.bool_)
    return (item_t.T, mask, qidx_t.T)

# --- scband reference (transcript-rebuilt; emitter-appended) ---
"""Pipeline reference for scband-rule-index-15178414424169 (READ-ONLY COPY).

The authoritative reference and input builder live on the scoring server;
editing this copy changes nothing except your own understanding.
"""

import jax, jax.numpy as jnp
import numpy as np

# Scale (HIGH band, memory-bound): R=500k rules, P=50k predicates (~10 rules/pred),
# B=65536 queries, max_pairs=64 -> output 3 x [65536, 64] tensors, pure gather/broadcast.
R = 500000
P = 50000          # predicate_no
HEAD_W = 3         # (pred, arg1, arg2)
BODY_W = 8
B = 65536
MAX_PAIRS = 64


def _build_index(key):
    """Replicates RuleIndex.__init__ with order='original'."""
    k1, k2, k3, k4 = jax.random.split(key, 4)
    head_preds = jax.random.randint(k1, (R,), 0, P, dtype=jnp.int32)
    rules_heads_idx = jnp.concatenate(
        [head_preds[:, None], jax.random.randint(k2, (R, HEAD_W - 1), 0, P, dtype=jnp.int32)], axis=1)
    rules_bodies_idx = jax.random.randint(k3, (R, BODY_W), 0, P, dtype=jnp.int32)
    rule_lens = jax.random.randint(k4, (R,), 1, BODY_W + 1, dtype=jnp.int32)

    # sort rules by head predicate (jax sort is stable by default)
    sort_perm = jnp.argsort(rules_heads_idx[:, 0])
    heads = rules_heads_idx[sort_perm]
    bodies = rules_bodies_idx[sort_perm]
    lens = rule_lens[sort_perm]
    idx = sort_perm

    preds = heads[:, 0]
    num_pred = P + 1  # predicate_no + 1
    counts = jnp.bincount(preds, length=num_pred)
    excl_cumsum = jnp.concatenate([jnp.zeros((1,), counts.dtype), jnp.cumsum(counts)[:-1]])
    # torch code leaves starts at 0 for predicates with no rules
    seg_starts = jnp.where(counts > 0, excl_cumsum, 0)
    seg_lens = counts
    return heads, bodies, lens, idx, seg_starts, seg_lens


def setup_inputs(seed: int = 0) -> dict:
    key = jax.random.key(seed)
    kidx, kq = jax.random.split(key, 2)
    heads, bodies, lens, idx, seg_starts, seg_lens = _build_index(kidx)
    query_preds = jax.random.randint(kq, (B,), 0, P, dtype=jnp.int32)
    return {
        "query_preds": query_preds,
        "max_pairs": MAX_PAIRS,
        "seg_starts": seg_starts,
        "seg_lens": seg_lens,
    }


def reference(query_preds, max_pairs, seg_starts, seg_lens):
    """Faithful translation of RuleIndex.lookup (the module's forward path).

    Returns (item_idx [B, K], valid_mask [B, K], query_idx [B, K]).
    """
    Bq = query_preds.shape[0]
    lens = jnp.take(seg_lens, query_preds, axis=0)      # gather [B]
    starts = jnp.take(seg_starts, query_preds, axis=0)  # gather [B]
    K = MAX_PAIRS
    pad = (jnp.asarray(max_pairs) - K).astype(starts.dtype)
    offsets = (jnp.arange(K, dtype=starts.dtype) + pad)[None, :]           # [1, K]
    item_idx = starts[:, None] + offsets                                    # [B, K]
    valid_mask = offsets < lens[:, None]                                    # [B, K]
    query_idx = jnp.broadcast_to(
        jnp.arange(Bq, dtype=jnp.int32)[:, None], (Bq, K))                  # [B, K]
    return item_idx, valid_mask, query_idx

if __name__ == "__main__":
    import jax
    _d = setup_inputs()
    print(jax.jit(kernel)(*tuple(_d.values())))

</pallas_src>

<mosaic_0001>
#map = affine_map<(d0, d1) -> (0)>
module attributes {stable_mosaic.version = 14 : i64} {
  func.func @body(%arg0: i32, %arg1: i32, %arg2: memref<65536xi32, #tpu.memory_space<hbm>>, %arg3: memref<50001xi32, #tpu.memory_space<hbm>>, %arg4: memref<50001xi32, #tpu.memory_space<hbm>>, %arg5: memref<65536xi32, #tpu.memory_space<hbm>>, %arg6: memref<65536xi32, #tpu.memory_space<hbm>>, %arg7: memref<2048xi32, #tpu.memory_space<vmem>>, %arg8: memref<2048xi32, #tpu.memory_space<vmem>>, %arg9: memref<2048xi32, #tpu.memory_space<vmem>>, %arg10: memref<!tpu.dma_semaphore, #tpu.memory_space<semaphore_mem>>, %arg11: memref<!tpu.dma_semaphore, #tpu.memory_space<semaphore_mem>>) attributes {dimension_semantics = [#tpu.dimension_semantics<core_parallel>, #tpu.dimension_semantics<subcore_parallel>], iteration_bounds = array<i64: 2, 16>, scalar_prefetch = 0 : i64, scratch_operands = 5 : i64, tpu.core_type = #tpu.core_type<sc_vector_subcore>, window_params = [{transform_indices = #map}, {transform_indices = #map}, {transform_indices = #map}, {transform_indices = #map}, {transform_indices = #map}]} {
    %mul3A = arith.constant 2 : i32
    %mul3A_0 = arith.muli %arg1, %mul3A : i32
    %add3A = arith.addi %mul3A_0, %arg0 : i32
    %mul3A_1 = arith.constant 2048 : i32
    %mul3A_2 = arith.muli %add3A, %mul3A_1 : i32
    "tpu.region"() ({
      %run_scoped3A = tpu.sem_alloc : memref<!tpu.dma_semaphore, #tpu.memory_space<semaphore_mem>>
      %dma_start3A_17 = tpu.memref_slice %arg2[%mul3A_2] : memref<65536xi32, #tpu.memory_space<hbm>> -> memref<2048xi32, #tpu.memory_space<hbm>>
      %dma_start3A_18 = tpu.memref_slice %arg2[%mul3A_2] : memref<65536xi32, #tpu.memory_space<hbm>> -> memref<2048xi32, #tpu.memory_space<hbm>>
      tpu.enqueue_dma source(%dma_start3A_18 : memref<2048xi32, #tpu.memory_space<hbm>>) target(%arg7 : memref<2048xi32, #tpu.memory_space<vmem>>) target_semaphore(%run_scoped3A : memref<!tpu.dma_semaphore, #tpu.memory_space<semaphore_mem>>)
      %dma_wait3A_19 = tpu.memref_slice %arg2[%mul3A_2] : memref<65536xi32, #tpu.memory_space<hbm>> -> memref<2048xi32, #tpu.memory_space<hbm>>
      %dma_wait3A_20 = tpu.memref_slice %arg2[%mul3A_2] : memref<65536xi32, #tpu.memory_space<hbm>> -> memref<2048xi32, #tpu.memory_space<hbm>>
      tpu.wait_dma2 semaphore(%run_scoped3A : memref<!tpu.dma_semaphore, #tpu.memory_space<semaphore_mem>>) src(%dma_wait3A_20 : memref<2048xi32, #tpu.memory_space<hbm>>) dst(%arg7 : memref<2048xi32, #tpu.memory_space<vmem>>)
      tpu.yield
    }) : () -> ()
    %dma_start3A = arith.constant 0 : i32
    %dma_start3A_3 = tpu.memref_slice %arg3[%dma_start3A] : memref<50001xi32, #tpu.memory_space<hbm>> -> memref<50001xi32, #tpu.memory_space<hbm>>
    tpu.enqueue_indirect_dma source(%dma_start3A_3 : memref<50001xi32, #tpu.memory_space<hbm>>) target(%arg8 : memref<2048xi32, #tpu.memory_space<vmem>>) offsets(%arg7 : memref<2048xi32, #tpu.memory_space<vmem>>) semaphore(%arg10 : memref<!tpu.dma_semaphore, #tpu.memory_space<semaphore_mem>>)
    %dma_start3A_4 = arith.constant 0 : i32
    %dma_start3A_5 = tpu.memref_slice %arg4[%dma_start3A_4] : memref<50001xi32, #tpu.memory_space<hbm>> -> memref<50001xi32, #tpu.memory_space<hbm>>
    tpu.enqueue_indirect_dma source(%dma_start3A_5 : memref<50001xi32, #tpu.memory_space<hbm>>) target(%arg9 : memref<2048xi32, #tpu.memory_space<vmem>>) offsets(%arg7 : memref<2048xi32, #tpu.memory_space<vmem>>) semaphore(%arg11 : memref<!tpu.dma_semaphore, #tpu.memory_space<semaphore_mem>>)
    %dma_wait3A = arith.constant 0 : i32
    %dma_wait3A_6 = tpu.memref_slice %arg3[%dma_wait3A] : memref<50001xi32, #tpu.memory_space<hbm>> -> memref<50001xi32, #tpu.memory_space<hbm>>
    tpu.wait_indirect_dma semaphore(%arg10 : memref<!tpu.dma_semaphore, #tpu.memory_space<semaphore_mem>>) src(%dma_wait3A_6 : memref<50001xi32, #tpu.memory_space<hbm>>) dst(%arg8 : memref<2048xi32, #tpu.memory_space<vmem>>)
    %dma_start3A_7 = tpu.memref_slice %arg5[%mul3A_2] : memref<65536xi32, #tpu.memory_space<hbm>> -> memref<2048xi32, #tpu.memory_space<hbm>>
    %dma_start3A_8 = tpu.memref_slice %arg5[%mul3A_2] : memref<65536xi32, #tpu.memory_space<hbm>> -> memref<2048xi32, #tpu.memory_space<hbm>>
    tpu.enqueue_dma source(%arg8 : memref<2048xi32, #tpu.memory_space<vmem>>) target(%dma_start3A_8 : memref<2048xi32, #tpu.memory_space<hbm>>) target_semaphore(%arg10 : memref<!tpu.dma_semaphore, #tpu.memory_space<semaphore_mem>>)
    %dma_wait3A_9 = arith.constant 0 : i32
    %dma_wait3A_10 = tpu.memref_slice %arg4[%dma_wait3A_9] : memref<50001xi32, #tpu.memory_space<hbm>> -> memref<50001xi32, #tpu.memory_space<hbm>>
    tpu.wait_indirect_dma semaphore(%arg11 : memref<!tpu.dma_semaphore, #tpu.memory_space<semaphore_mem>>) src(%dma_wait3A_10 : memref<50001xi32, #tpu.memory_space<hbm>>) dst(%arg9 : memref<2048xi32, #tpu.memory_space<vmem>>)
    %dma_start3A_11 = tpu.memref_slice %arg6[%mul3A_2] : memref<65536xi32, #tpu.memory_space<hbm>> -> memref<2048xi32, #tpu.memory_space<hbm>>
    %dma_start3A_12 = tpu.memref_slice %arg6[%mul3A_2] : memref<65536xi32, #tpu.memory_space<hbm>> -> memref<2048xi32, #tpu.memory_space<hbm>>
    tpu.enqueue_dma source(%arg9 : memref<2048xi32, #tpu.memory_space<vmem>>) target(%dma_start3A_12 : memref<2048xi32, #tpu.memory_space<hbm>>) target_semaphore(%arg11 : memref<!tpu.dma_semaphore, #tpu.memory_space<semaphore_mem>>)
    %dma_wait3A_13 = tpu.memref_slice %arg5[%mul3A_2] : memref<65536xi32, #tpu.memory_space<hbm>> -> memref<2048xi32, #tpu.memory_space<hbm>>
    %dma_wait3A_14 = tpu.memref_slice %arg5[%mul3A_2] : memref<65536xi32, #tpu.memory_space<hbm>> -> memref<2048xi32, #tpu.memory_space<hbm>>
    tpu.wait_dma2 semaphore(%arg10 : memref<!tpu.dma_semaphore, #tpu.memory_space<semaphore_mem>>) src(%arg8 : memref<2048xi32, #tpu.memory_space<vmem>>) dst(%dma_wait3A_14 : memref<2048xi32, #tpu.memory_space<hbm>>)
    %dma_wait3A_15 = tpu.memref_slice %arg6[%mul3A_2] : memref<65536xi32, #tpu.memory_space<hbm>> -> memref<2048xi32, #tpu.memory_space<hbm>>
    %dma_wait3A_16 = tpu.memref_slice %arg6[%mul3A_2] : memref<65536xi32, #tpu.memory_space<hbm>> -> memref<2048xi32, #tpu.memory_space<hbm>>
    tpu.wait_dma2 semaphore(%arg11 : memref<!tpu.dma_semaphore, #tpu.memory_space<semaphore_mem>>) src(%arg9 : memref<2048xi32, #tpu.memory_space<vmem>>) dst(%dma_wait3A_16 : memref<2048xi32, #tpu.memory_space<hbm>>)
    return
  }
}

module attributes {stable_mosaic.version = 14 : i64} {
  func.func @_tc_expand_body(%arg0: i32, %arg1: memref<1x1x2048xi32, #tpu.memory_space<vmem>>, %arg2: memref<1x1x2048xi32, #tpu.memory_space<vmem>>, %arg3: memref<64x128xi32, #tpu.memory_space<vmem>>, %arg4: memref<64x2048xi32, #tpu.memory_space<vmem>>, %arg5: memref<64x2048xi8, #tpu.memory_space<vmem>>, %arg6: memref<64x2048xi32, #tpu.memory_space<vmem>>) attributes {dimension_semantics = [#tpu.dimension_semantics<arbitrary>], iteration_bounds = array<i64: 32>, scalar_prefetch = 0 : i64, scratch_operands = 0 : i64, tpu.core_type = #tpu.core_type<tc>, window_params = [{transform_indices = @transform_0, window_bounds = array<i64: 1, 1, 2048>}, {transform_indices = @transform_1, window_bounds = array<i64: 1, 1, 2048>}, {pipeline_mode = #tpu.pipeline_mode<synchronous>, transform_indices = @transform_2, window_bounds = array<i64: 64, 128>}, {transform_indices = @transform_3, window_bounds = array<i64: 64, 2048>}, {transform_indices = @transform_4, window_bounds = array<i64: 64, 2048>}, {transform_indices = @transform_5, window_bounds = array<i64: 64, 2048>}]} {
    %get3A = arith.constant 0 : index
    %get3A_0 = arith.constant 0 : index
    %get3A_1 = arith.constant 0 : index
    %get3A_2 = vector.load %arg1[%get3A, %get3A_0, %get3A_1] : memref<1x1x2048xi32, #tpu.memory_space<vmem>>, vector<1x1x2048xi32>
    %get3A_3 = vector.shape_cast %get3A_2 : vector<1x1x2048xi32> to vector<1x2048xi32>
    %get3A_4 = arith.constant 0 : index
    %get3A_5 = arith.constant 0 : index
    %get3A_6 = arith.constant 0 : index
    %get3A_7 = vector.load %arg2[%get3A_4, %get3A_5, %get3A_6] : memref<1x1x2048xi32, #tpu.memory_space<vmem>>, vector<1x1x2048xi32>
    %get3A_8 = vector.shape_cast %get3A_7 : vector<1x1x2048xi32> to vector<1x2048xi32>
    %get3A_9 = arith.constant 0 : index
    %get3A_10 = arith.constant 0 : index
    %get3A_11 = vector.load %arg3[%get3A_9, %get3A_10] : memref<64x128xi32, #tpu.memory_space<vmem>>, vector<64x1xi32>
    %add3A = vector.broadcast %get3A_3 : vector<1x2048xi32> to vector<64x2048xi32>
    %add3A_12 = vector.broadcast %get3A_11 : vector<64x1xi32> to vector<64x2048xi32>
    %add3A_13 = arith.addi %add3A, %add3A_12 : vector<64x2048xi32>
    %swap3A = arith.constant 0 : index
    %swap3A_14 = arith.constant 0 : index
    %swap3A_15 = vector.load %arg4[%swap3A, %swap3A_14] : memref<64x2048xi32, #tpu.memory_space<vmem>>, vector<64x2048xi32>
    tpu.vector_store %arg4[%swap3A, %swap3A_14], %add3A_13 {strides = array<i32>} : memref<64x2048xi32, #tpu.memory_space<vmem>>, vector<64x2048xi32>,
    %lt3A = vector.broadcast %get3A_11 : vector<64x1xi32> to vector<64x2048xi32>
    %lt3A_16 = vector.broadcast %get3A_8 : vector<1x2048xi32> to vector<64x2048xi32>
    %lt3A_17 = arith.cmpi slt, %lt3A, %lt3A_16 : vector<64x2048xi32>
    %convert_element_type3A = arith.extui %lt3A_17 : vector<64x2048xi1> to vector<64x2048xi8>
    %swap3A_18 = arith.constant 0 : index
    %swap3A_19 = arith.constant 0 : index
    %swap3A_20 = vector.load %arg5[%swap3A_18, %swap3A_19] : memref<64x2048xi8, #tpu.memory_space<vmem>>, vector<64x2048xi8>
    tpu.vector_store %arg5[%swap3A_18, %swap3A_19], %convert_element_type3A {strides = array<i32>} : memref<64x2048xi8, #tpu.memory_space<vmem>>, vector<64x2048xi8>,
    %iota3A = tpu.iota {dimensions = array<i32: 1>} : vector<64x2048xi32>
    %mul3A = arith.constant 2048 : i32
    %mul3A_21 = arith.muli %arg0, %mul3A : i32
    %add3A_22 = vector.broadcast %mul3A_21 : i32 to vector<64x2048xi32>
    %add3A_23 = arith.addi %iota3A, %add3A_22 : vector<64x2048xi32>
    %swap3A_24 = arith.constant 0 : index
    %swap3A_25 = arith.constant 0 : index
    %swap3A_26 = vector.load %arg6[%swap3A_24, %swap3A_25] : memref<64x2048xi32, #tpu.memory_space<vmem>>, vector<64x2048xi32>
    tpu.vector_store %arg6[%swap3A_24, %swap3A_25], %add3A_23 {strides = array<i32>} : memref<64x2048xi32, #tpu.memory_space<vmem>>, vector<64x2048xi32>,
    return
  }
  func.func @transform_0(%arg0: i32) -> (i32, i32, i32) {
    %c0_i32 = arith.constant 0 : i32
    %c0_i32_0 = arith.constant 0 : i32
    %c0_i32_1 = arith.constant 0 : i32
    return %arg0, %c0_i32, %c0_i32_0 : i32, i32, i32
  }
  func.func @transform_1(%arg0: i32) -> (i32, i32, i32) {
    %c0_i32 = arith.constant 0 : i32
    %c0_i32_0 = arith.constant 0 : i32
    %c0_i32_1 = arith.constant 0 : i32
    return %arg0, %c0_i32, %c0_i32_0 : i32, i32, i32
  }
  func.func @transform_2(%arg0: i32) -> (i32, i32) {
    %c0_i32 = arith.constant 0 : i32
    %c0_i32_0 = arith.constant 0 : i32
    %c0_i32_1 = arith.constant 0 : i32
    return %c0_i32, %c0_i32_0 : i32, i32
  }
  func.func @transform_3(%arg0: i32) -> (i32, i32) {
    %c0_i32 = arith.constant 0 : i32
    %c0_i32_0 = arith.constant 0 : i32
    return %c0_i32, %arg0 : i32, i32
  }
  func.func @transform_4(%arg0: i32) -> (i32, i32) {
    %c0_i32 = arith.constant 0 : i32
    %c0_i32_0 = arith.constant 0 : i32
    return %c0_i32, %arg0 : i32, i32
  }
  func.func @transform_5(%arg0: i32) -> (i32, i32) {
    %c0_i32 = arith.constant 0 : i32
    %c0_i32_0 = arith.constant 0 : i32
    return %c0_i32, %arg0 : i32, i32
  }
}

</mosaic_0001>

<sc_bundles>
// kernel: kernel.4.cloned.1.call-start
scs
__scs_entry_jumppad:
0x0: {  	(pc) =	sbr.rel $0x88, $3  }
0x1: {  	(tag) =	ssettag $0x0;
	lr =	simm.s32 $0x1  }
0x2: {  	[smem:$0x3F9D] =	sst lr;
	_ =	strace $0xD0000000  }
0x3: {  	_ = 	snop  }
0x4: {  	_ = 	snop  }
0x5: {  	_ = 	snop  }
0x6: {  	_ = 	snop  }
0x7: {  	_ = 	snop  }
__scs_overlays_trampoline_lowered:
0x8: {  	[smem:$0x3FAC] =	sst s0  }
0x9: {  	[smem:$0x3FAD] =	sst s1  }
0xa: {  	[smem:$0x3FAE] =	sst s2  }
0xb: {  	[smem:$0x3FAF] =	sst s3  }
0xc: {  	[smem:$0x3FB0] =	sst s4  }
0xd: {  	[smem:$0x3FB1] =	sst s5  }
0xe: {  	[smem:$0x3FB2] =	sst s6  }
0xf: {  	[smem:$0x3FB3] =	sst s7  }
0x10: {  	[smem:$0x3FB4] =	sst s8  }
0x11: {  	[smem:$0x3FB5] =	sst s9;
	s0 =	simm.s32 @!p0 $0x0  }
0x12: {  	s1 =	sld [smem:$0x3F9B];
	s0 =	simm.s32 @p0 $0x1  }
0x13: {  	[smem:$0x3FB6] =	sst s0;
	s0 =	simm.s32 @!p1 $0x0  }
0x14: {  	s2 =	sld [smem:$0x3F9A];
	s0 =	simm.s32 @p1 $0x1  }
0x15: {  	[smem:$0x3FB7] =	sst s0;
	s0 =	simm.s32 @!p2 $0x0  }
0x16: {  	s3 =	sld [smem:$0x3FDB];
	s0 =	simm.s32 @p2 $0x1  }
0x17: {  	s4 =	simm.s32 $0x1BF5;
	[smem:$0x3FB9] =	sst s0  }
0x18: {  	s0 =	sld [smem:$0x3F9C];
	_ =	swait.ge [sflag:s4], $0x0  }
0x19: {  	s7 =	sld [smem:$0x3F9D]  }
0x1a: {  	s8 =	sadd.s32 $0xFFFFE003, lr  }
0x1b: {  	s9 =	sadd.s32 $0xFFFFFEF7, lr;
	s5 =	simm.s32 $0xFFFFFFFF;
	p2 =	slt.u32 s8, $0xFFFFF086  }
0x1c: {  	p1 =	slt.u32 s9, $0xF7A;
	s5 =	simm.s32 @!p2 $0x0  }
0x1d: {  	s5 =	simm.s32 @p1 $0x1;
	p0 =	seq.s32 s7, s2  }
0x1e: {  	s7 =	smul.u32 @!p0 $0xF7A, s2;
	p2 =	seq.s32 @!p0 s5, $0x0  }
0x1f: {  	s9 =	smul.u32 $0xF7A, s1;
	s8 =	simm.s32 @!p0 $0x1BF5;
	p2 =	por !p2, p0  }
0x20: {  	[sflag:s8] =	ssyncset.s32 @!p0 $0xFFFFF086;
	s6 =	sadd.s32 @!p0 s3, s7;
	s7 =	simm.s32 @!p0 $0x108  }
0x21: {  	s3 =	sadd.s32 s3, s9;
	s6 =	sadd.s32 @!p0 $0x88, s6;
	s7 =	simm.s32 @p2 $0x1082  }
0x22: {  	[simem:s7], [sflag:s8] =	dma.local @!p0 [hbm:s6], $0xF7A  }
0x23: {  	s9 =	sor.u32 $0xD0000000, s2;
	s6 =	simm.s32 $0x108;
	_ =	swait.ge @!p0 [sflag:s8], $0x0  }
0x24: {  	s3 =	sadd.s32 $0x88, s3;
	s6 =	simm.s32 @!p1 $0x1082;
	[sflag:s4] =	ssyncset.s32 $0xFFFFF086  }
0x25: {  	[simem:s6], [sflag:s4] =	dma.local [hbm:s3], $0xF7A  }
0x26: {  	[smem:$0x3F9D] =	sst s1;
	(tag) =	ssettag s2;
	_ =	strace s9  }
0x27: {  	s1 =	sld [smem:$0x3FAD]  }
0x28: {  	s2 =	sld [smem:$0x3FAE]  }
0x29: {  	s4 =	sld [smem:$0x3FB0]  }
0x2a: {  	p0 =	seq.s32 s5, $0x0;
	s5 =	sld [smem:$0x3FB1]  }
0x2b: {  	s6 =	sld [smem:$0x3FB2]  }
0x2c: {  	s7 =	sld [smem:$0x3FB3]  }
0x2d: {  	s3 =	simm.s32 $0x108;
	s8 =	sld [smem:$0x3FB4]  }
0x2e: {  	s3 =	simm.s32 @!p0 $0x1082;
	s9 =	sld [smem:$0x3FB5]  }
0x2f: {  	lr =	sadd.s32 s0, s3;
	s0 =	sld [smem:$0x3FAC]  }
0x30: {  	s3 =	sld [smem:$0x3FAF]  }
0x31: {  	[smem:$0x3FB8] =	sst s10  }
0x32: {  	s10 =	sld [smem:$0x3FB6];
	_ =	sdelay $0x3  }
0x33: {  	p0 =	seq.s32 s10, $0x1;
	s10 =	sld [smem:$0x3FB8];
	_ =	sdelay $0x3  }
0x34: {  	[smem:$0x3FB8] =	sst s10  }
0x35: {  	s10 =	sld [smem:$0x3FB7];
	_ =	sdelay $0x3  }
0x36: {  	p1 =	seq.s32 s10, $0x1;
	s10 =	sld [smem:$0x3FB8];
	_ =	sdelay $0x3  }
0x37: {  	[smem:$0x3FB8] =	sst s10  }
0x38: {  	s10 =	sld [smem:$0x3FB9]  }
0x39: {  	_ = 	snop;
	(pc) =	sbr.ind lr, $3  }
0x3a: {  	_ = 	snop  }
0x3b: {  	_ = 	snop  }
0x3c: {  	p2 =	seq.s32 s10, $0x1;
	s10 =	sld [smem:$0x3FB8]  }
0x3d: {  	_ =	shalt  }
0x3e: {  	_ =	shalt  }
0x3f: {  	_ =	shalt  }
0x40: {  	_ =	shalt  }
0x41: {  	_ =	shalt  }
0x42: {  	_ =	shalt  }
0x43: {  	_ =	shalt  }
0x44: {  	_ =	shalt  }
0x45: {  	_ =	shalt  }
0x46: {  	_ =	shalt  }
0x47: {  	_ =	shalt  }
0x48: {  	_ =	shalt  }
0x49: {  	_ =	shalt  }
0x4a: {  	_ =	shalt  }
0x4b: {  	_ =	shalt  }
0x4c: {  	_ =	shalt  }
0x4d: {  	_ =	shalt  }
0x4e: {  	_ =	shalt  }
0x4f: {  	_ =	shalt  }
0x50: {  	_ =	shalt  }
0x51: {  	_ =	shalt  }
0x52: {  	_ =	shalt  }
0x53: {  	_ =	shalt  }
0x54: {  	_ =	shalt  }
0x55: {  	_ =	shalt  }
0x56: {  	_ =	shalt  }
0x57: {  	_ =	shalt  }
0x58: {  	_ =	shalt  }
0x59: {  	_ =	shalt  }
0x5a: {  	_ =	shalt  }
0x5b: {  	_ =	shalt  }
0x5c: {  	_ =	shalt  }
0x5d: {  	_ =	shalt  }
0x5e: {  	_ =	shalt  }
0x5f: {  	_ =	shalt  }
0x60: {  	_ =	shalt  }
0x61: {  	_ =	shalt  }
0x62: {  	_ =	shalt  }
0x63: {  	_ =	shalt  }
0x64: {  	_ =	shalt  }
0x65: {  	_ =	shalt  }
0x66: {  	_ =	shalt  }
0x67: {  	_ =	shalt  }
0x68: {  	_ =	shalt  }
0x69: {  	_ =	shalt  }
0x6a: {  	_ =	shalt  }
0x6b: {  	_ =	shalt  }
0x6c: {  	_ =	shalt  }
0x6d: {  	_ =	shalt  }
0x6e: {  	_ =	shalt  }
0x6f: {  	_ =	shalt  }
0x70: {  	_ =	shalt  }
0x71: {  	_ =	shalt  }
0x72: {  	_ =	shalt  }
0x73: {  	_ =	shalt  }
0x74: {  	_ =	shalt  }
0x75: {  	_ =	shalt  }
0x76: {  	_ =	shalt  }
0x77: {  	_ =	shalt  }
0x78: {  	_ =	shalt  }
0x79: {  	_ =	shalt  }
0x7a: {  	_ =	shalt  }
0x7b: {  	_ =	shalt  }
0x7c: {  	_ =	shalt  }
0x7d: {  	_ =	shalt  }
0x7e: {  	_ =	shalt  }
0x7f: {  	_ =	shalt  }
0x80: {  	_ =	shalt  }
0x81: {  	_ =	shalt  }
0x82: {  	_ =	shalt  }
0x83: {  	_ =	shalt  }
0x84: {  	_ =	shalt  }
0x85: {  	_ =	shalt  }
0x86: {  	_ =	shalt  }
0x87: {  	_ =	shalt  }
.Lfunc_end0:
.L_simem_size_0:
called_computation_lowered:
.L_overlay_start_0:
0x88: {  	s2 =	sld [smem:$0x3FD9]  }
0x89: {  	s3 =	sld [smem:$0x3FFE];
	_ =	sdelay $0x1  }
0x8a: {  	s1 =	srdreg.scid  }
0x8b: {  	s0 =	sand.u32 $0x1, s1  }
0x8c: {  	s15 =	sshll.u32 s0, $0xA;
	s2 =	sadd.s32 s3, s2  }
0x8d: {  	s2 =	sadd.s32 s2, s15  }
0x8e: {  	[smem:$0x3FC4] =	sst s2  }
0x8f: {  	_ = 	snop  }
0x90: {  	s2 =	sld [smem:$0x3FD0]  }
0x91: {  	s16 =	sld [smem:$0x3FC9]  }
0x92: {  	s4 =	sld [smem:$0x3FC7]  }
0x93: {  	s6 =	simm.s32 $0xA;
	s7 =	simm.s32 $0x10;
	s5 =	sld [smem:$0x3FC6]  }
0x94: {  	[smem:s7], [sflag:s6] =	dma.local [hbm:s2], $0x1  }
0x95: {  	_ =	swait.eq [sflag:s6], $0x1  }
0x96: {  	[sflag:s6] =	ssyncset.done $0x0  }
0x97: {  	s17 =	sld [smem:$0x11];
	[sflag:s6] =	ssyncadd.s32 $0xFFFFFFFF  }
0x98: {  	s18 =	sld [smem:$0x12];
	(tm) =	ssettm $0x1  }
0x99: {  	s19 =	sld [smem:$0x3FFB];
	_ =	sdelay $0x3  }
0x9a: {  	_ =	strace s19  }
0x9b: {  	s7 =	sld [smem:$0x3FFC];
	_ =	sdelay $0x3  }
0x9c: {  	_ =	strace s7  }
0x9d: {  	s7 =	sld [smem:$0x3FFD];
	_ =	sdelay $0x3  }
0x9e: {  	_ =	strace s7  }
0x9f: {  	_ =	strace $0x8FFFFFFF  }
0xa0: {  	s20 =	sld [smem:$0x3FDB];
	_ =	sdelay $0x1  }
0xa1: {  	s8 =	simm.s32 $_scs_section_size  }
0xa2: {  	s9 =	simm.s32 $_size__tile_overlayer_lowered;
	s10 =	simm.s32 $_tile_overlayer_lowered  }
0xa3: {  	s23 =	simm.s32 $0x1BFF;
	s22 =	sshll.u32 s10, $0x1;
	s7 =	sadd.s32 s8, s20  }
0xa4: {  	s11 =	simm.s32 $0x0;
	s21 =	sshll.u32 s9, $0x1;
	s9 =	sadd.s32 s22, s7  }
0xa5: {  	[timem:s11], [sflag:s23] =	dma.local [hbm:s9], s21  }
0xa6: {  	_ =	swait.ge [sflag:s23], s21  }
0xa7: {  	s8 =	ssub.s32 $0x0, s21;
	[sflag:s23] =	ssyncset.done $0x0  }
0xa8: {  	[sflag:s23] =	ssyncadd.s32 s8;
	_ =	sdelay $0x1  }
0xa9: {  	s24 =	simm.s32 $0x1B8B  }
0xaa: {  	_ =	swait.ge [sflag:s24], $0x1  }
0xab: {  	[sflag:s24] =	ssyncset.done $0x0  }
0xac: {  	s25 =	simm.s32 $0x1B8E;
	[sflag:s24] =	ssyncadd.s32 $0xFFFFFFFF  }
0xad: {  	s26 =	simm.s32 $execute0_lowered;
	[smem:$0x3FD2] =	sst s25  }
0xae: {  	s8 =	sshll.u32 s26, $0x1;
	_ =	strace $0x80000046;
	[dreg:$0x1] =	wrdreg $0xFFFFFFFF  }
0xaf: {  	s28 =	simm.s32 $_size_execute0_lowered;
	s7 =	sadd.s32 s7, s8;
	[dreg:$0x0] =	wrdreg $0x0  }
0xb0: {  	s8 =	sshll.u32 s28, $0x1;
	[dreg:$0x2] =	wrdreg s7  }
0xb1: {  	[dreg:$0x3] =	wrdreg s8  }
0xb2: {  	[dreg:$0x4] =	wrdreg $0xC0  }
0xb3: {  	_ =	task [dreg:s11], $0x5FFFF  }
0xb4: {  	[dreg:$0x1] =	wrdreg $0xFFFFFFFF  }
0xb5: {  	[dreg:$0x0] =	wrdreg $0x60  }
0xb6: {  	[dreg:$0x2] =	wrdreg s16  }
0xb7: {  	[dreg:$0x3] =	wrdreg s4  }
0xb8: {  	[dreg:$0x4] =	wrdreg s5  }
0xb9: {  	[dreg:$0x5] =	wrdreg s17  }
0xba: {  	[dreg:$0x6] =	wrdreg s18  }
0xbb: {  	[dreg:$0x7] =	wrdreg $0x9  }
0xbc: {  	_ =	task.clear_ibuf [dreg:s11], $0x8FFFF;
	_ =	strace $0x90000046  }
0xbd: {  	s29 =	simm.s32 $0x9;
	_ =	strace $0x80000048  }
0xbe: {  	_ =	swait.ge [sflag:s29], $0x1  }
0xbf: {  	[sflag:s29] =	ssyncadd.s32 $0xFFFFFFFF  }
0xc0: {  	_ =	strace $0x90000048  }
0xc1: {  	_ =	sfence  }
0xc2: {  	s30 =	sld [smem:$0x0];
	_ =	sdelay $0x2  }
0xc3: {  	s31 =	sshll.u32 s1, $0xD;
	s1 =	sshrl.u32 s1, $0x2  }
0xc4: {  	s3 =	sand.u32 $0x4000, s31;
	s1 =	sadd.s32 s1, s30  }
0xc5: {  	s0 =	sor.u32 s3, s0;
	s1 =	sshll.u32 s1, $0x11  }
0xc6: {  	s0 =	sor.u32 s1, s0  }
0xc7: {  	s0 =	sadd.s32 $0x8F2B, s0  }
0xc8: {  	[sflag:s0] =	ssyncadd.remote.s32 $0x1  }
0xc9: {  	_ =	sfence.sel $0xFFFF  }
0xca: {  	[dreg:$0x0] =	wrdreg $0xFFFFFFFF;
	(pc) =	sbr.abs _section_cstart, $3  }
0xcb: {  	[dreg:$0x1] =	wrdreg $0xFFFFFFFF  }
0xcc: {  	_ =	task.clear_ibuf [dreg:s11], $0x2FFFF;
	_ =	strace $0x9FFFFFFF  }
0xcd: {  	(tm) =	ssettm $0x7FFFFFFF  }
tec
execute0_lowered:
.L_overlay_start_1:
0x0: {  	(tag) =	ssettag $0x1  }
0x1: {  	s5 =	rddreg [dreg:$0x0]  }
0x2: {  	s1 =	rddreg [dreg:$0x1]  }
0x3: {  	s3 =	rddreg [dreg:$0x2]  }
0x4: {  	s10 =	rddreg [dreg:$0x3]  }
0x5: {  	s12 =	rddreg [dreg:$0x4];
	s4 =	srdreg.scid  }
0x6: {  	s0 =	rddreg [dreg:$0x5];
	s2 =	stileid.u32;
	s13 =	sand.u32 $0x1, s4  }
0x7: {  	s4 =	simm.s32 $0x0;
	s6 =	sshll.u32 s2, $0x9;
	s7 =	sshll.u32 s13, $0x8  }
0x8: {  	[smem:$0x7FF] =	sst s4;
	s14 =	sor.u32 s7, s6  }
0x9: {  	_ =	strace $0x80000047;
	s6 =	simm.s32 $0x3;
	s5 =	sadd.s32 s5, s14  }
0xa: {  	[tilespmem:s4], [sflag:$0x3] =	stream.linear.gather [hbm4b:s5+s4], $0x800, $0x38;
	[tilespmem:$0x1800] =	vst v63  }
0xb: {  	_ =	swait.ge [sflag:s6], $0x800  }
0xc: {  	[sflag:s6] =	ssyncset.done $0x0  }
0xd: {  	s7 =	simm.s32 $0x800;
	[sflag:s6] =	ssyncadd.s32 $0xFFFFF800  }
0xe: {  	[tilespmem:s7], [sflag:$0x1] =	stream.indirect.gather [hbm4b:s1+s7], $0x1, s4, s7, $0xb8;
	[tilespmem:$0x1800] =	vst v63  }
0xf: {  	s8 =	simm.s32 $0x1000;
	s9 =	simm.s32 $0x1  }
0x10: {  	[tilespmem:s8], [sflag:$0x2] =	stream.indirect.gather [hbm4b:s3+s7], $0x1, s4, s7, $0xb8;
	[tilespmem:$0x1800] =	vst v63  }
0x11: {  	s13 =	ssub.s32 $0x2, s13;
	_ =	swait.ge [sflag:s9], $0x800  }
0x12: {  	s31 =	sshrl.u32 s13, $0x1;
	[sflag:s9] =	ssyncset.done $0x0  }
0x13: {  	s11 =	sadd.s32 s10, s14;
	s10 =	simm.s32 $0x2;
	[sflag:s9] =	ssyncadd.s32 $0xFFFFF800  }
0x14: {  	[hbm4b:s11+s4] =	stream.linear.scatter [tilespmem:s7], [sflag:$0x1], $0x800, $0x38;
	[tilespmem:$0x1800] =	vst v63  }
0x15: {  	s13 =	ssub.s32 s13, s31;
	_ =	swait.ge [sflag:s10], $0x800  }
0x16: {  	s13 =	smax.u32 s13, $0x1;
	[sflag:s10] =	ssyncset.done $0x0  }
0x17: {  	s12 =	sadd.s32 s12, s14;
	p0 =	sne.s32 s13, $0x1;
	[sflag:s10] =	ssyncadd.s32 $0xFFFFF800  }
0x18: {  	[hbm4b:s12+s4] =	stream.linear.scatter [tilespmem:s8], [sflag:$0x2], $0x800, $0x38;
	[tilespmem:$0x1800] =	vst v63  }
.Ltmp0:
0x19: {  	_ =	swait.ge [sflag:s9], $0x800;
	(pc) =	sbr.rel @!p0 .LBB2_2-.Ltmp0, $4  }
0x1a: {  	[sflag:s9] =	ssyncset.done $0x0  }
0x1b: {  	[sflag:s9] =	ssyncadd.s32 $0xFFFFF800  }
0x1c: {  	_ =	swait.ge [sflag:s10], $0x800  }
0x1d: {  	s13 =	sadd.s32 $0xFFFFFFFF, s13;
	[sflag:s10] =	ssyncset.done $0x0  }
.LBB2_1:
0x1e: {  	p0 =	sne.s32 s13, $0x1;
	s13 =	sadd.s32 $0xFFFFFFFF, s13;
	[sflag:s10] =	ssyncadd.s32 $0xFFFFF800  }
0x1f: {  	[tilespmem:s4], [sflag:$0x3] =	stream.linear.gather [hbm4b:s5+s4], $0x800, $0x38;
	[tilespmem:$0x1800] =	vst v63  }
0x20: {  	_ =	swait.ge [sflag:s6], $0x800  }
0x21: {  	[sflag:s6] =	ssyncset.done $0x0  }
0x22: {  	[sflag:s6] =	ssyncadd.s32 $0xFFFFF800  }
0x23: {  	[tilespmem:s7], [sflag:$0x1] =	stream.indirect.gather [hbm4b:s1+s7], $0x1, s4, s7, $0xb8;
	[tilespmem:$0x1800] =	vst v63  }
0x24: {  	_ = 	snop  }
0x25: {  	[tilespmem:s8], [sflag:$0x2] =	stream.indirect.gather [hbm4b:s3+s7], $0x1, s4, s7, $0xb8;
	[tilespmem:$0x1800] =	vst v63  }
0x26: {  	_ =	swait.ge [sflag:s9], $0x800  }
0x27: {  	[sflag:s9] =	ssyncset.done $0x0  }
0x28: {  	[sflag:s9] =	ssyncadd.s32 $0xFFFFF800  }
0x29: {  	[hbm4b:s11+s4] =	stream.linear.scatter [tilespmem:s7], [sflag:$0x1], $0x800, $0x38;
	[tilespmem:$0x1800] =	vst v63  }
0x2a: {  	_ =	swait.ge [sflag:s10], $0x800  }
0x2b: {  	[sflag:s10] =	ssyncset.done $0x0  }
0x2c: {  	[sflag:s10] =	ssyncadd.s32 $0xFFFFF800  }
0x2d: {  	[hbm4b:s12+s4] =	stream.linear.scatter [tilespmem:s8], [sflag:$0x2], $0x800, $0x38;
	[tilespmem:$0x1800] =	vst v63  }
.Ltmp1:
0x2e: {  	_ =	swait.ge [sflag:s9], $0x800;
	(pc) =	sbr.rel @p0 .LBB2_1-.Ltmp1, $4  }
0x2f: {  	[sflag:s9] =	ssyncset.done $0x0  }
0x30: {  	[sflag:s9] =	ssyncadd.s32 $0xFFFFF800  }
0x31: {  	_ =	swait.ge [sflag:s10], $0x800  }
0x32: {  	[sflag:s10] =	ssyncset.done $0x0  }
.LBB2_2:
0x33: {  	[sflag:s10] =	ssyncadd.s32 $0xFFFFF800  }
0x34: {  	_ =	sfence.sel $0x180000  }
0x35: {  	[bflag:$0x0] =	sbarrier.arrive $0xFFFF  }
0x36: {  	p0 =	sne.s32 s2, $0x0;
	_ =	strace $0x90000047  }
0x37: {  	s0 =	sadd.s32 @!p0 $0x100000, s0;
	[bflag:$0x2] =	sbarrier.arrive $0xFFFF  }
0x38: {  	[sflag:s0] =	ssyncadd.tile.s32 @!p0 $0x1;
	_ =	shalt  }
.Lfunc_end2:
_tile_overlayer_lowered:
.L_overlay_start_2:
0x39: {  	(tag) =	ssettag $0x2  }
0x3a: {  	s0 =	rddreg [dreg:$0x0];
	s2 =	stileid.u32  }
0x3b: {  	s1 =	rddreg [dreg:$0x1];
	p0 =	sne.s32 s2, $0x0  }
0x3c: {  	s3 =	rddreg [dreg:$0x2];
	[bflag:$0x3] =	sbarrier.arrive $0xFFFF;
	s2 =	simm.s32 @!p0 $0x1C03  }
0x3d: {  	[timem:s3], [sflag:s2] =	dma.local @!p0 [hbm:s0], s1  }
0x3e: {  	s0 =	simm.s32 @!p0 $0x3  }
0x3f: {  	_ =	swait.ge @!p0 [sflag:s0], s1  }
0x40: {  	s1 =	ssub.s32 @!p0 $0x0, s1;
	[sflag:s0] =	ssyncset.done @!p0 $0x0  }
0x41: {  	[sflag:s0] =	ssyncadd.s32 @!p0 s1  }
0x42: {  	[bflag:$0x3] =	sbarrier.arrive $0xFFFF  }
0x43: {  	_ =	shalt  }

</sc_bundles>
